<compile_context>
chip_gen: v7x
topology: tpu7x:2x2x1
jax: 0.10.2.dev20260603
libtpu: 0.0.44.dev20260713+nightly
codegen_flags: <defaults>
</compile_context>

<pallas_src>
import functools

import jax
import jax.numpy as jnp
from jax import lax
from jax.experimental import pallas as pl
from jax.experimental.pallas import tpu as pltpu
from jax.experimental.pallas import tpu_sc as plsc

SC_LANES = 16
N_WORKERS = 32

TOPK_SMALL = 1
TOPK_LARGE = 5

ROW_BLK = 256
COL_BLK = 2048


def _sc_gather_body(bpw, n_cols, table128, target, tv128,
                    tgt_v, idx_v, rows_v, sem):
    wid = lax.axis_index("s") * 2 + lax.axis_index("c")
    base = wid * bpw
    pltpu.sync_copy(target.at[pl.ds(base, bpw)], tgt_v)
    for c in range(bpw // SC_LANES):
        row16 = base + c * SC_LANES + lax.iota(jnp.int32, SC_LANES)
        t16 = tgt_v[pl.ds(c * SC_LANES, SC_LANES)]
        idx_v[pl.ds(c * SC_LANES, SC_LANES)] = lax.shift_right_logical(
            row16 * n_cols + t16, 7)
    pltpu.async_copy(table128.at[idx_v], rows_v, sem).wait()
    pltpu.sync_copy(rows_v, tv128.at[pl.ds(base, bpw)])


def _tc_count_body(n_rows, n_cols, cb_last, tv128_ref, tgt_ref, x_ref,
                   out_ref, acc_ref, tvs_ref):
    rb = pl.program_id(0)
    cb = pl.program_id(1)
    tg = tgt_ref[...]

    @pl.when(cb == 0)
    def _():
        acc_ref[...] = jnp.zeros_like(acc_ref)
        row = rb * ROW_BLK + lax.broadcasted_iota(
            jnp.int32, (ROW_BLK, 1), 0)
        tlane = jnp.bitwise_and(row * (n_cols % 128) + tg, 127)
        lane = lax.broadcasted_iota(jnp.int32, (ROW_BLK, 128), 1)
        tvs_ref[...] = jnp.sum(
            jnp.where(lane == tlane, tv128_ref[...], 0.0),
            axis=1, keepdims=True)

    x = x_ref[...]
    tv = tvs_ref[...]
    col = cb * COL_BLK + lax.broadcasted_iota(
        jnp.int32, (ROW_BLK, COL_BLK), 1)
    valid = col < n_cols
    better = ((x > tv) | ((x == tv) & (col < tg))) & valid
    acc_ref[...] += jnp.sum(
        better.astype(jnp.float32), axis=1, keepdims=True)

    @pl.when(cb == cb_last)
    def _():
        a = acc_ref[...]
        inv_b = 1.0 / n_rows
        s1 = jnp.sum((a < TOPK_SMALL).astype(jnp.float32)) * inv_b
        s5 = jnp.sum((a < TOPK_LARGE).astype(jnp.float32)) * inv_b
        lane = lax.broadcasted_iota(jnp.int32, (1, 128), 1)
        contrib = (jnp.where(lane == 0, s1, 0.0)
                   + jnp.where(lane == 1, s5, 0.0))

        @pl.when(rb == 0)
        def _():
            out_ref[...] = contrib

        @pl.when(rb > 0)
        def _():
            out_ref[...] += contrib


def kernel(output, target):
    n_rows, n_cols = output.shape
    tgt = target.astype(jnp.int32)

    table128 = output.reshape(n_rows * n_cols // 128, 128)
    bpw = n_rows // N_WORKERS
    mesh = plsc.VectorSubcoreMesh(core_axis_name="c", subcore_axis_name="s")
    tv128 = pl.kernel(
        functools.partial(_sc_gather_body, bpw, n_cols),
        out_type=jax.ShapeDtypeStruct((n_rows, 128), jnp.float32),
        mesh=mesh,
        scratch_types=[
            pltpu.VMEM((bpw,), jnp.int32),
            pltpu.VMEM((bpw,), jnp.int32),
            pltpu.VMEM((bpw, 128), jnp.float32),
            pltpu.SemaphoreType.DMA,
        ],
    )(table128, tgt)

    rb_n = n_rows // ROW_BLK
    cb_n = (n_cols + COL_BLK - 1) // COL_BLK
    out = pl.pallas_call(
        functools.partial(_tc_count_body, n_rows, n_cols, cb_n - 1),
        grid=(rb_n, cb_n),
        in_specs=[
            pl.BlockSpec((ROW_BLK, 128), lambda rb, cb: (rb, 0)),
            pl.BlockSpec((ROW_BLK, 1), lambda rb, cb: (rb, 0)),
            pl.BlockSpec((ROW_BLK, COL_BLK), lambda rb, cb: (rb, cb)),
        ],
        out_specs=pl.BlockSpec((1, 128), lambda rb, cb: (0, 0)),
        out_shape=jax.ShapeDtypeStruct((1, 128), jnp.float32),
        scratch_shapes=[
            pltpu.VMEM((ROW_BLK, 1), jnp.float32),
            pltpu.VMEM((ROW_BLK, 1), jnp.float32),
        ],
    )(tv128, tgt.reshape(n_rows, 1), output)
    return out[0, :2]

# --- scband reference (transcript-rebuilt; emitter-appended) ---
"""Pipeline reference for scband-accuracy-90108413870657 (READ-ONLY COPY).

The authoritative reference and input builder live on the scoring server;
editing this copy changes nothing except your own understanding.
"""

import jax, jax.numpy as jnp
import numpy as np

TOP_K = (1, 5)

def setup_inputs(seed: int = 0) -> dict:
    key = jax.random.key(seed)
    k1, k2 = jax.random.split(key)
    output = jax.random.normal(k1, (4096, 100000), dtype=jnp.float32)
    target = jax.random.randint(k2, (4096,), 0, 100000, dtype=jnp.int64)
    return {"output": output, "target": target}

def reference(output, target):
    batch_size = target.shape[0]
    max_k = max(TOP_K)
    _, pred = jax.lax.top_k(output, max_k)  # (B, max_k), sorted descending
    pred = pred.T  # (max_k, B)
    correct = jnp.equal(pred, target.reshape(1, -1))  # (max_k, B)
    res = []
    for k in TOP_K:
        correct_k = jnp.sum(correct[:k].reshape(-1).astype(jnp.float32)) / batch_size
        res.append(correct_k)
    return jnp.stack(res)

if __name__ == "__main__":
    import jax
    _d = setup_inputs()
    print(jax.jit(kernel)(*tuple(_d.values())))

</pallas_src>

<mosaic_0001>
#map = affine_map<(d0, d1) -> (0, 0)>
#map1 = affine_map<(d0, d1) -> (0)>
module attributes {stable_mosaic.version = 14 : i64} {
  func.func @_sc_gather_body(%arg0: i32, %arg1: i32, %arg2: memref<3200000x128xf32, #tpu.memory_space<hbm>>, %arg3: memref<4096xi32, #tpu.memory_space<hbm>>, %arg4: memref<4096x128xf32, #tpu.memory_space<hbm>>, %arg5: memref<128xi32, #tpu.memory_space<vmem>>, %arg6: memref<128xi32, #tpu.memory_space<vmem>>, %arg7: memref<128x128xf32, #tpu.memory_space<vmem>>, %arg8: memref<!tpu.dma_semaphore, #tpu.memory_space<semaphore_mem>>) attributes {dimension_semantics = [#tpu.dimension_semantics<core_parallel>, #tpu.dimension_semantics<subcore_parallel>], iteration_bounds = array<i64: 2, 16>, scalar_prefetch = 0 : i64, scratch_operands = 4 : i64, tpu.core_type = #tpu.core_type<sc_vector_subcore>, window_params = [{transform_indices = #map}, {transform_indices = #map1}, {transform_indices = #map}]} {
    %mul3A = arith.constant 2 : i32
    %mul3A_0 = arith.muli %arg1, %mul3A : i32
    %add3A = arith.addi %mul3A_0, %arg0 : i32
    %mul3A_1 = arith.constant 128 : i32
    %mul3A_2 = arith.muli %add3A, %mul3A_1 : i32
    "tpu.region"() ({
      %run_scoped3A = tpu.sem_alloc : memref<!tpu.dma_semaphore, #tpu.memory_space<semaphore_mem>>
      %dma_start3A_155 = tpu.memref_slice %arg3[%mul3A_2] : memref<4096xi32, #tpu.memory_space<hbm>> -> memref<128xi32, #tpu.memory_space<hbm>>
      %dma_start3A_156 = tpu.memref_slice %arg3[%mul3A_2] : memref<4096xi32, #tpu.memory_space<hbm>> -> memref<128xi32, #tpu.memory_space<hbm>>
      tpu.enqueue_dma source(%dma_start3A_156 : memref<128xi32, #tpu.memory_space<hbm>>) target(%arg5 : memref<128xi32, #tpu.memory_space<vmem>>) target_semaphore(%run_scoped3A : memref<!tpu.dma_semaphore, #tpu.memory_space<semaphore_mem>>)
      %dma_wait3A_157 = tpu.memref_slice %arg3[%mul3A_2] : memref<4096xi32, #tpu.memory_space<hbm>> -> memref<128xi32, #tpu.memory_space<hbm>>
      %dma_wait3A_158 = tpu.memref_slice %arg3[%mul3A_2] : memref<4096xi32, #tpu.memory_space<hbm>> -> memref<128xi32, #tpu.memory_space<hbm>>
      tpu.wait_dma2 semaphore(%run_scoped3A : memref<!tpu.dma_semaphore, #tpu.memory_space<semaphore_mem>>) src(%dma_wait3A_158 : memref<128xi32, #tpu.memory_space<hbm>>) dst(%arg5 : memref<128xi32, #tpu.memory_space<vmem>>)
      tpu.yield
    }) : () -> ()
    %add3A_3 = arith.constant 0 : i32
    %add3A_4 = arith.addi %mul3A_2, %add3A_3 : i32
    %iota3A = tpu.iota {dimensions = array<i32: 0>} : vector<16xi32>
    %add3A_5 = vector.broadcast %add3A_4 : i32 to vector<16xi32>
    %add3A_6 = arith.addi %add3A_5, %iota3A : vector<16xi32>
    %get3A = arith.constant 0 : index
    %get3A_7 = tpu.vector_load %arg5[%get3A] {strides = array<i32>} : memref<128xi32, #tpu.memory_space<vmem>>, vector<16xi32>,
    %get3A_8 = vector.shape_cast %get3A_7 : vector<16xi32> to vector<16xi32>
    %mul3A_9 = arith.constant 100000 : i32
    %mul3A_10 = vector.broadcast %mul3A_9 : i32 to vector<16xi32>
    %mul3A_11 = arith.muli %add3A_6, %mul3A_10 : vector<16xi32>
    %add3A_12 = arith.addi %mul3A_11, %get3A_8 : vector<16xi32>
    %shift_right_logical3A = arith.constant 7 : i32
    %shift_right_logical3A_13 = vector.broadcast %shift_right_logical3A : i32 to vector<16xi32>
    %shift_right_logical3A_14 = arith.shrui %add3A_12, %shift_right_logical3A_13 : vector<16xi32>
    %swap3A = arith.constant 0 : index
    %swap3A_15 = tpu.vector_load %arg6[%swap3A] {strides = array<i32>} : memref<128xi32, #tpu.memory_space<vmem>>, vector<16xi32>,
    %swap3A_16 = vector.shape_cast %swap3A_15 : vector<16xi32> to vector<16xi32>
    %swap3A_17 = vector.shape_cast %shift_right_logical3A_14 : vector<16xi32> to vector<16xi32>
    tpu.vector_store %arg6[%swap3A], %swap3A_17 {strides = array<i32>} : memref<128xi32, #tpu.memory_space<vmem>>, vector<16xi32>,
    %add3A_18 = arith.constant 16 : i32
    %add3A_19 = arith.addi %mul3A_2, %add3A_18 : i32
    %iota3A_20 = tpu.iota {dimensions = array<i32: 0>} : vector<16xi32>
    %add3A_21 = vector.broadcast %add3A_19 : i32 to vector<16xi32>
    %add3A_22 = arith.addi %add3A_21, %iota3A_20 : vector<16xi32>
    %get3A_23 = arith.constant 16 : index
    %get3A_24 = tpu.vector_load %arg5[%get3A_23] {strides = array<i32>} : memref<128xi32, #tpu.memory_space<vmem>>, vector<16xi32>,
    %get3A_25 = vector.shape_cast %get3A_24 : vector<16xi32> to vector<16xi32>
    %mul3A_26 = arith.constant 100000 : i32
    %mul3A_27 = vector.broadcast %mul3A_26 : i32 to vector<16xi32>
    %mul3A_28 = arith.muli %add3A_22, %mul3A_27 : vector<16xi32>
    %add3A_29 = arith.addi %mul3A_28, %get3A_25 : vector<16xi32>
    %shift_right_logical3A_30 = arith.constant 7 : i32
    %shift_right_logical3A_31 = vector.broadcast %shift_right_logical3A_30 : i32 to vector<16xi32>
    %shift_right_logical3A_32 = arith.shrui %add3A_29, %shift_right_logical3A_31 : vector<16xi32>
    %swap3A_33 = arith.constant 16 : index
    %swap3A_34 = tpu.vector_load %arg6[%swap3A_33] {strides = array<i32>} : memref<128xi32, #tpu.memory_space<vmem>>, vector<16xi32>,
    %swap3A_35 = vector.shape_cast %swap3A_34 : vector<16xi32> to vector<16xi32>
    %swap3A_36 = vector.shape_cast %shift_right_logical3A_32 : vector<16xi32> to vector<16xi32>
    tpu.vector_store %arg6[%swap3A_33], %swap3A_36 {strides = array<i32>} : memref<128xi32, #tpu.memory_space<vmem>>, vector<16xi32>,
    %add3A_37 = arith.constant 32 : i32
    %add3A_38 = arith.addi %mul3A_2, %add3A_37 : i32
    %iota3A_39 = tpu.iota {dimensions = array<i32: 0>} : vector<16xi32>
    %add3A_40 = vector.broadcast %add3A_38 : i32 to vector<16xi32>
    %add3A_41 = arith.addi %add3A_40, %iota3A_39 : vector<16xi32>
    %get3A_42 = arith.constant 32 : index
    %get3A_43 = tpu.vector_load %arg5[%get3A_42] {strides = array<i32>} : memref<128xi32, #tpu.memory_space<vmem>>, vector<16xi32>,
    %get3A_44 = vector.shape_cast %get3A_43 : vector<16xi32> to vector<16xi32>
    %mul3A_45 = arith.constant 100000 : i32
    %mul3A_46 = vector.broadcast %mul3A_45 : i32 to vector<16xi32>
    %mul3A_47 = arith.muli %add3A_41, %mul3A_46 : vector<16xi32>
    %add3A_48 = arith.addi %mul3A_47, %get3A_44 : vector<16xi32>
    %shift_right_logical3A_49 = arith.constant 7 : i32
    %shift_right_logical3A_50 = vector.broadcast %shift_right_logical3A_49 : i32 to vector<16xi32>
    %shift_right_logical3A_51 = arith.shrui %add3A_48, %shift_right_logical3A_50 : vector<16xi32>
    %swap3A_52 = arith.constant 32 : index
    %swap3A_53 = tpu.vector_load %arg6[%swap3A_52] {strides = array<i32>} : memref<128xi32, #tpu.memory_space<vmem>>, vector<16xi32>,
    %swap3A_54 = vector.shape_cast %swap3A_53 : vector<16xi32> to vector<16xi32>
    %swap3A_55 = vector.shape_cast %shift_right_logical3A_51 : vector<16xi32> to vector<16xi32>
    tpu.vector_store %arg6[%swap3A_52], %swap3A_55 {strides = array<i32>} : memref<128xi32, #tpu.memory_space<vmem>>, vector<16xi32>,
    %add3A_56 = arith.constant 48 : i32
    %add3A_57 = arith.addi %mul3A_2, %add3A_56 : i32
    %iota3A_58 = tpu.iota {dimensions = array<i32: 0>} : vector<16xi32>
    %add3A_59 = vector.broadcast %add3A_57 : i32 to vector<16xi32>
    %add3A_60 = arith.addi %add3A_59, %iota3A_58 : vector<16xi32>
    %get3A_61 = arith.constant 48 : index
    %get3A_62 = tpu.vector_load %arg5[%get3A_61] {strides = array<i32>} : memref<128xi32, #tpu.memory_space<vmem>>, vector<16xi32>,
    %get3A_63 = vector.shape_cast %get3A_62 : vector<16xi32> to vector<16xi32>
    %mul3A_64 = arith.constant 100000 : i32
    %mul3A_65 = vector.broadcast %mul3A_64 : i32 to vector<16xi32>
    %mul3A_66 = arith.muli %add3A_60, %mul3A_65 : vector<16xi32>
    %add3A_67 = arith.addi %mul3A_66, %get3A_63 : vector<16xi32>
    %shift_right_logical3A_68 = arith.constant 7 : i32
    %shift_right_logical3A_69 = vector.broadcast %shift_right_logical3A_68 : i32 to vector<16xi32>
    %shift_right_logical3A_70 = arith.shrui %add3A_67, %shift_right_logical3A_69 : vector<16xi32>
    %swap3A_71 = arith.constant 48 : index
    %swap3A_72 = tpu.vector_load %arg6[%swap3A_71] {strides = array<i32>} : memref<128xi32, #tpu.memory_space<vmem>>, vector<16xi32>,
    %swap3A_73 = vector.shape_cast %swap3A_72 : vector<16xi32> to vector<16xi32>
    %swap3A_74 = vector.shape_cast %shift_right_logical3A_70 : vector<16xi32> to vector<16xi32>
    tpu.vector_store %arg6[%swap3A_71], %swap3A_74 {strides = array<i32>} : memref<128xi32, #tpu.memory_space<vmem>>, vector<16xi32>,
    %add3A_75 = arith.constant 64 : i32
    %add3A_76 = arith.addi %mul3A_2, %add3A_75 : i32
    %iota3A_77 = tpu.iota {dimensions = array<i32: 0>} : vector<16xi32>
    %add3A_78 = vector.broadcast %add3A_76 : i32 to vector<16xi32>
    %add3A_79 = arith.addi %add3A_78, %iota3A_77 : vector<16xi32>
    %get3A_80 = arith.constant 64 : index
    %get3A_81 = tpu.vector_load %arg5[%get3A_80] {strides = array<i32>} : memref<128xi32, #tpu.memory_space<vmem>>, vector<16xi32>,
    %get3A_82 = vector.shape_cast %get3A_81 : vector<16xi32> to vector<16xi32>
    %mul3A_83 = arith.constant 100000 : i32
    %mul3A_84 = vector.broadcast %mul3A_83 : i32 to vector<16xi32>
    %mul3A_85 = arith.muli %add3A_79, %mul3A_84 : vector<16xi32>
    %add3A_86 = arith.addi %mul3A_85, %get3A_82 : vector<16xi32>
    %shift_right_logical3A_87 = arith.constant 7 : i32
    %shift_right_logical3A_88 = vector.broadcast %shift_right_logical3A_87 : i32 to vector<16xi32>
    %shift_right_logical3A_89 = arith.shrui %add3A_86, %shift_right_logical3A_88 : vector<16xi32>
    %swap3A_90 = arith.constant 64 : index
    %swap3A_91 = tpu.vector_load %arg6[%swap3A_90] {strides = array<i32>} : memref<128xi32, #tpu.memory_space<vmem>>, vector<16xi32>,
    %swap3A_92 = vector.shape_cast %swap3A_91 : vector<16xi32> to vector<16xi32>
    %swap3A_93 = vector.shape_cast %shift_right_logical3A_89 : vector<16xi32> to vector<16xi32>
    tpu.vector_store %arg6[%swap3A_90], %swap3A_93 {strides = array<i32>} : memref<128xi32, #tpu.memory_space<vmem>>, vector<16xi32>,
    %add3A_94 = arith.constant 80 : i32
    %add3A_95 = arith.addi %mul3A_2, %add3A_94 : i32
    %iota3A_96 = tpu.iota {dimensions = array<i32: 0>} : vector<16xi32>
    %add3A_97 = vector.broadcast %add3A_95 : i32 to vector<16xi32>
    %add3A_98 = arith.addi %add3A_97, %iota3A_96 : vector<16xi32>
    %get3A_99 = arith.constant 80 : index
    %get3A_100 = tpu.vector_load %arg5[%get3A_99] {strides = array<i32>} : memref<128xi32, #tpu.memory_space<vmem>>, vector<16xi32>,
    %get3A_101 = vector.shape_cast %get3A_100 : vector<16xi32> to vector<16xi32>
    %mul3A_102 = arith.constant 100000 : i32
    %mul3A_103 = vector.broadcast %mul3A_102 : i32 to vector<16xi32>
    %mul3A_104 = arith.muli %add3A_98, %mul3A_103 : vector<16xi32>
    %add3A_105 = arith.addi %mul3A_104, %get3A_101 : vector<16xi32>
    %shift_right_logical3A_106 = arith.constant 7 : i32
    %shift_right_logical3A_107 = vector.broadcast %shift_right_logical3A_106 : i32 to vector<16xi32>
    %shift_right_logical3A_108 = arith.shrui %add3A_105, %shift_right_logical3A_107 : vector<16xi32>
    %swap3A_109 = arith.constant 80 : index
    %swap3A_110 = tpu.vector_load %arg6[%swap3A_109] {strides = array<i32>} : memref<128xi32, #tpu.memory_space<vmem>>, vector<16xi32>,
    %swap3A_111 = vector.shape_cast %swap3A_110 : vector<16xi32> to vector<16xi32>
    %swap3A_112 = vector.shape_cast %shift_right_logical3A_108 : vector<16xi32> to vector<16xi32>
    tpu.vector_store %arg6[%swap3A_109], %swap3A_112 {strides = array<i32>} : memref<128xi32, #tpu.memory_space<vmem>>, vector<16xi32>,
    %add3A_113 = arith.constant 96 : i32
    %add3A_114 = arith.addi %mul3A_2, %add3A_113 : i32
    %iota3A_115 = tpu.iota {dimensions = array<i32: 0>} : vector<16xi32>
    %add3A_116 = vector.broadcast %add3A_114 : i32 to vector<16xi32>
    %add3A_117 = arith.addi %add3A_116, %iota3A_115 : vector<16xi32>
    %get3A_118 = arith.constant 96 : index
    %get3A_119 = tpu.vector_load %arg5[%get3A_118] {strides = array<i32>} : memref<128xi32, #tpu.memory_space<vmem>>, vector<16xi32>,
    %get3A_120 = vector.shape_cast %get3A_119 : vector<16xi32> to vector<16xi32>
    %mul3A_121 = arith.constant 100000 : i32
    %mul3A_122 = vector.broadcast %mul3A_121 : i32 to vector<16xi32>
    %mul3A_123 = arith.muli %add3A_117, %mul3A_122 : vector<16xi32>
    %add3A_124 = arith.addi %mul3A_123, %get3A_120 : vector<16xi32>
    %shift_right_logical3A_125 = arith.constant 7 : i32
    %shift_right_logical3A_126 = vector.broadcast %shift_right_logical3A_125 : i32 to vector<16xi32>
    %shift_right_logical3A_127 = arith.shrui %add3A_124, %shift_right_logical3A_126 : vector<16xi32>
    %swap3A_128 = arith.constant 96 : index
    %swap3A_129 = tpu.vector_load %arg6[%swap3A_128] {strides = array<i32>} : memref<128xi32, #tpu.memory_space<vmem>>, vector<16xi32>,
    %swap3A_130 = vector.shape_cast %swap3A_129 : vector<16xi32> to vector<16xi32>
    %swap3A_131 = vector.shape_cast %shift_right_logical3A_127 : vector<16xi32> to vector<16xi32>
    tpu.vector_store %arg6[%swap3A_128], %swap3A_131 {strides = array<i32>} : memref<128xi32, #tpu.memory_space<vmem>>, vector<16xi32>,
    %add3A_132 = arith.constant 112 : i32
    %add3A_133 = arith.addi %mul3A_2, %add3A_132 : i32
    %iota3A_134 = tpu.iota {dimensions = array<i32: 0>} : vector<16xi32>
    %add3A_135 = vector.broadcast %add3A_133 : i32 to vector<16xi32>
    %add3A_136 = arith.addi %add3A_135, %iota3A_134 : vector<16xi32>
    %get3A_137 = arith.constant 112 : index
    %get3A_138 = tpu.vector_load %arg5[%get3A_137] {strides = array<i32>} : memref<128xi32, #tpu.memory_space<vmem>>, vector<16xi32>,
    %get3A_139 = vector.shape_cast %get3A_138 : vector<16xi32> to vector<16xi32>
    %mul3A_140 = arith.constant 100000 : i32
    %mul3A_141 = vector.broadcast %mul3A_140 : i32 to vector<16xi32>
    %mul3A_142 = arith.muli %add3A_136, %mul3A_141 : vector<16xi32>
    %add3A_143 = arith.addi %mul3A_142, %get3A_139 : vector<16xi32>
    %shift_right_logical3A_144 = arith.constant 7 : i32
    %shift_right_logical3A_145 = vector.broadcast %shift_right_logical3A_144 : i32 to vector<16xi32>
    %shift_right_logical3A_146 = arith.shrui %add3A_143, %shift_right_logical3A_145 : vector<16xi32>
    %swap3A_147 = arith.constant 112 : index
    %swap3A_148 = tpu.vector_load %arg6[%swap3A_147] {strides = array<i32>} : memref<128xi32, #tpu.memory_space<vmem>>, vector<16xi32>,
    %swap3A_149 = vector.shape_cast %swap3A_148 : vector<16xi32> to vector<16xi32>
    %swap3A_150 = vector.shape_cast %shift_right_logical3A_146 : vector<16xi32> to vector<16xi32>
    tpu.vector_store %arg6[%swap3A_147], %swap3A_150 {strides = array<i32>} : memref<128xi32, #tpu.memory_space<vmem>>, vector<16xi32>,
    %dma_start3A = arith.constant 0 : i32
    %dma_start3A_151 = arith.constant 0 : i32
    %dma_start3A_152 = tpu.memref_slice %arg2[%dma_start3A, %dma_start3A_151] : memref<3200000x128xf32, #tpu.memory_space<hbm>> -> memref<3200000x128xf32, #tpu.memory_space<hbm>>
    tpu.enqueue_indirect_dma source(%dma_start3A_152 : memref<3200000x128xf32, #tpu.memory_space<hbm>>) target(%arg7 : memref<128x128xf32, #tpu.memory_space<vmem>>) offsets(%arg6 : memref<128xi32, #tpu.memory_space<vmem>>) semaphore(%arg8 : memref<!tpu.dma_semaphore, #tpu.memory_space<semaphore_mem>>)
    %dma_wait3A = arith.constant 0 : i32
    %dma_wait3A_153 = arith.constant 0 : i32
    %dma_wait3A_154 = tpu.memref_slice %arg2[%dma_wait3A, %dma_wait3A_153] : memref<3200000x128xf32, #tpu.memory_space<hbm>> -> memref<3200000x128xf32, #tpu.memory_space<hbm>>
    tpu.wait_indirect_dma semaphore(%arg8 : memref<!tpu.dma_semaphore, #tpu.memory_space<semaphore_mem>>) src(%dma_wait3A_154 : memref<3200000x128xf32, #tpu.memory_space<hbm>>) dst(%arg7 : memref<128x128xf32, #tpu.memory_space<vmem>>)
    "tpu.region"() ({
      %run_scoped3A = tpu.sem_alloc : memref<!tpu.dma_semaphore, #tpu.memory_space<semaphore_mem>>
      %dma_start3A_155 = arith.constant 0 : i32
      %dma_start3A_156 = tpu.memref_slice %arg4[%mul3A_2, %dma_start3A_155] : memref<4096x128xf32, #tpu.memory_space<hbm>> -> memref<128x128xf32, #tpu.memory_space<hbm>>
      %dma_start3A_157 = arith.constant 0 : i32
      %dma_start3A_158 = tpu.memref_slice %arg4[%mul3A_2, %dma_start3A_157] : memref<4096x128xf32, #tpu.memory_space<hbm>> -> memref<128x128xf32, #tpu.memory_space<hbm>>
      tpu.enqueue_dma source(%arg7 : memref<128x128xf32, #tpu.memory_space<vmem>>) target(%dma_start3A_158 : memref<128x128xf32, #tpu.memory_space<hbm>>) target_semaphore(%run_scoped3A : memref<!tpu.dma_semaphore, #tpu.memory_space<semaphore_mem>>)
      %dma_wait3A_159 = arith.constant 0 : i32
      %dma_wait3A_160 = tpu.memref_slice %arg4[%mul3A_2, %dma_wait3A_159] : memref<4096x128xf32, #tpu.memory_space<hbm>> -> memref<128x128xf32, #tpu.memory_space<hbm>>
      %dma_wait3A_161 = arith.constant 0 : i32
      %dma_wait3A_162 = tpu.memref_slice %arg4[%mul3A_2, %dma_wait3A_161] : memref<4096x128xf32, #tpu.memory_space<hbm>> -> memref<128x128xf32, #tpu.memory_space<hbm>>
      tpu.wait_dma2 semaphore(%run_scoped3A : memref<!tpu.dma_semaphore, #tpu.memory_space<semaphore_mem>>) src(%arg7 : memref<128x128xf32, #tpu.memory_space<vmem>>) dst(%dma_wait3A_162 : memref<128x128xf32, #tpu.memory_space<hbm>>)
      tpu.yield
    }) : () -> ()
    return
  }
}

module attributes {stable_mosaic.version = 14 : i64} {
  func.func @_tc_count_body(%arg0: i32, %arg1: i32, %arg2: memref<256x128xf32, #tpu.memory_space<vmem>>, %arg3: memref<256x1xi32, #tpu.memory_space<vmem>>, %arg4: memref<256x2048xf32, #tpu.memory_space<vmem>>, %arg5: memref<1x128xf32, #tpu.memory_space<vmem>>, %arg6: memref<256x1xf32, #tpu.memory_space<vmem>>, %arg7: memref<256x1xf32, #tpu.memory_space<vmem>>) attributes {dimension_semantics = [#tpu.dimension_semantics<arbitrary>, #tpu.dimension_semantics<arbitrary>], iteration_bounds = array<i64: 16, 49>, scalar_prefetch = 0 : i64, scratch_operands = 2 : i64, tpu.core_type = #tpu.core_type<tc>, window_params = [{transform_indices = @transform_0, window_bounds = array<i64: 256, 128>}, {transform_indices = @transform_1, window_bounds = array<i64: 256, 1>}, {transform_indices = @transform_2, window_bounds = array<i64: 256, 2048>}, {pipeline_mode = #tpu.pipeline_mode<synchronous>, transform_indices = @transform_3, window_bounds = array<i64: 1, 128>}]} {
    %get3A = arith.constant 0 : index
    %get3A_0 = arith.constant 0 : index
    %get3A_1 = vector.load %arg3[%get3A, %get3A_0] : memref<256x1xi32, #tpu.memory_space<vmem>>, vector<256x1xi32>
    %eq3A = arith.constant 0 : i32
    %eq3A_2 = arith.cmpi eq, %arg1, %eq3A : i32
    %convert_element_type3A = arith.extui %eq3A_2 : i1 to i32
    %cond3A = arith.constant 0 : i32
    %cond3A_3 = arith.cmpi ne, %convert_element_type3A, %cond3A : i32
    scf.if %cond3A_3 {
      %broadcast_in_dim3A_34 = arith.constant 0.000000e+00 : f32
      %broadcast_in_dim3A_35 = vector.broadcast %broadcast_in_dim3A_34 : f32 to vector<256x1xf32>
      %swap3A_36 = arith.constant 0 : index
      %swap3A_37 = arith.constant 0 : index
      %swap3A_38 = vector.load %arg6[%swap3A_36, %swap3A_37] : memref<256x1xf32, #tpu.memory_space<vmem>>, vector<256x1xf32>
      tpu.vector_store %arg6[%swap3A_36, %swap3A_37], %broadcast_in_dim3A_35 {strides = array<i32>} : memref<256x1xf32, #tpu.memory_space<vmem>>, vector<256x1xf32>,
      %mul3A_39 = arith.constant 256 : i32
      %mul3A_40 = arith.muli %arg0, %mul3A_39 : i32
      %iota3A_41 = tpu.iota {dimensions = array<i32: 0>} : vector<256x1xi32>
      %add3A_42 = vector.broadcast %mul3A_40 : i32 to vector<256x1xi32>
      %add3A_43 = arith.addi %add3A_42, %iota3A_41 : vector<256x1xi32>
      %mul3A_44 = arith.constant 32 : i32
      %mul3A_45 = vector.broadcast %mul3A_44 : i32 to vector<256x1xi32>
      %mul3A_46 = arith.muli %add3A_43, %mul3A_45 : vector<256x1xi32>
      %add3A_47 = arith.addi %mul3A_46, %get3A_1 : vector<256x1xi32>
      %and3A_48 = arith.constant 127 : i32
      %and3A_49 = vector.broadcast %and3A_48 : i32 to vector<256x1xi32>
      %and3A_50 = arith.andi %add3A_47, %and3A_49 : vector<256x1xi32>
      %iota3A_51 = tpu.iota {dimensions = array<i32: 1>} : vector<256x128xi32>
      %eq3A_52 = vector.broadcast %and3A_50 : vector<256x1xi32> to vector<256x128xi32>
      %eq3A_53 = arith.cmpi eq, %iota3A_51, %eq3A_52 : vector<256x128xi32>
      %get3A_54 = arith.constant 0 : index
      %get3A_55 = arith.constant 0 : index
      %get3A_56 = vector.load %arg2[%get3A_54, %get3A_55] : memref<256x128xf32, #tpu.memory_space<vmem>>, vector<256x128xf32>
      %jit3A = arith.constant 0.000000e+00 : f32
      %broadcast_in_dim3A_57 = vector.broadcast %jit3A : f32 to vector<256x128xf32>
      %select_n3A = arith.select %eq3A_53, %get3A_56, %broadcast_in_dim3A_57 : vector<256x128xi1>, vector<256x128xf32>
      %reduce_sum3A_58 = arith.constant dense<0.000000e+00> : vector<256xf32>
      %reduce_sum3A_59 = vector.multi_reduction <add>, %select_n3A, %reduce_sum3A_58 [1] : vector<256x128xf32> to vector<256xf32>
      %broadcast_in_dim3A_60 = vector.shape_cast %reduce_sum3A_59 : vector<256xf32> to vector<256x1xf32>
      %swap3A_61 = arith.constant 0 : index
      %swap3A_62 = arith.constant 0 : index
      %swap3A_63 = vector.load %arg7[%swap3A_61, %swap3A_62] : memref<256x1xf32, #tpu.memory_space<vmem>>, vector<256x1xf32>
      tpu.vector_store %arg7[%swap3A_61, %swap3A_62], %broadcast_in_dim3A_60 {strides = array<i32>} : memref<256x1xf32, #tpu.memory_space<vmem>>, vector<256x1xf32>,
    } else {
    }
    %get3A_4 = arith.constant 0 : index
    %get3A_5 = arith.constant 0 : index
    %get3A_6 = vector.load %arg4[%get3A_4, %get3A_5] : memref<256x2048xf32, #tpu.memory_space<vmem>>, vector<256x2048xf32>
    %get3A_7 = arith.constant 0 : index
    %get3A_8 = arith.constant 0 : index
    %get3A_9 = vector.load %arg7[%get3A_7, %get3A_8] : memref<256x1xf32, #tpu.memory_space<vmem>>, vector<256x1xf32>
    %mul3A = arith.constant 2048 : i32
    %mul3A_10 = arith.muli %arg1, %mul3A : i32
    %iota3A = tpu.iota {dimensions = array<i32: 1>} : vector<256x2048xi32>
    %add3A = vector.broadcast %mul3A_10 : i32 to vector<256x2048xi32>
    %add3A_11 = arith.addi %add3A, %iota3A : vector<256x2048xi32>
    %lt3A = arith.constant 100000 : i32
    %lt3A_12 = vector.broadcast %lt3A : i32 to vector<256x2048xi32>
    %lt3A_13 = arith.cmpi slt, %add3A_11, %lt3A_12 : vector<256x2048xi32>
    %gt3A = vector.broadcast %get3A_9 : vector<256x1xf32> to vector<256x2048xf32>
    %gt3A_14 = arith.cmpf ogt, %get3A_6, %gt3A : vector<256x2048xf32>
    %eq3A_15 = vector.broadcast %get3A_9 : vector<256x1xf32> to vector<256x2048xf32>
    %eq3A_16 = arith.cmpf oeq, %get3A_6, %eq3A_15 : vector<256x2048xf32>
    %lt3A_17 = vector.broadcast %get3A_1 : vector<256x1xi32> to vector<256x2048xi32>
    %lt3A_18 = arith.cmpi slt, %add3A_11, %lt3A_17 : vector<256x2048xi32>
    %and3A = arith.andi %eq3A_16, %lt3A_18 : vector<256x2048xi1>
    %or3A = arith.ori %gt3A_14, %and3A : vector<256x2048xi1>
    %and3A_19 = arith.andi %or3A, %lt3A_13 : vector<256x2048xi1>
    %get3A_20 = arith.constant 0 : index
    %get3A_21 = arith.constant 0 : index
    %get3A_22 = vector.load %arg6[%get3A_20, %get3A_21] : memref<256x1xf32, #tpu.memory_space<vmem>>, vector<256x1xf32>
    %convert_element_type3A_23 = arith.extui %and3A_19 : vector<256x2048xi1> to vector<256x2048xi32>
    %convert_element_type3A_24 = arith.sitofp %convert_element_type3A_23 : vector<256x2048xi32> to vector<256x2048xf32>
    %reduce_sum3A = arith.constant dense<0.000000e+00> : vector<256xf32>
    %reduce_sum3A_25 = vector.multi_reduction <add>, %convert_element_type3A_24, %reduce_sum3A [1] : vector<256x2048xf32> to vector<256xf32>
    %broadcast_in_dim3A = vector.shape_cast %reduce_sum3A_25 : vector<256xf32> to vector<256x1xf32>
    %add3A_26 = arith.addf %get3A_22, %broadcast_in_dim3A : vector<256x1xf32>
    %swap3A = arith.constant 0 : index
    %swap3A_27 = arith.constant 0 : index
    %swap3A_28 = vector.load %arg6[%swap3A, %swap3A_27] : memref<256x1xf32, #tpu.memory_space<vmem>>, vector<256x1xf32>
    tpu.vector_store %arg6[%swap3A, %swap3A_27], %add3A_26 {strides = array<i32>} : memref<256x1xf32, #tpu.memory_space<vmem>>, vector<256x1xf32>,
    %eq3A_29 = arith.constant 48 : i32
    %eq3A_30 = arith.cmpi eq, %arg1, %eq3A_29 : i32
    %convert_element_type3A_31 = arith.extui %eq3A_30 : i1 to i32
    %cond3A_32 = arith.constant 0 : i32
    %cond3A_33 = arith.cmpi ne, %convert_element_type3A_31, %cond3A_32 : i32
    scf.if %cond3A_33 {
      %get3A_34 = arith.constant 0 : index
      %get3A_35 = arith.constant 0 : index
      %get3A_36 = vector.load %arg6[%get3A_34, %get3A_35] : memref<256x1xf32, #tpu.memory_space<vmem>>, vector<256x1xf32>
      %lt3A_37 = arith.constant 1.000000e+00 : f32
      %lt3A_38 = vector.broadcast %lt3A_37 : f32 to vector<256x1xf32>
      %lt3A_39 = arith.cmpf olt, %get3A_36, %lt3A_38 : vector<256x1xf32>
      %convert_element_type3A_40 = arith.extui %lt3A_39 : vector<256x1xi1> to vector<256x1xi32>
      %convert_element_type3A_41 = arith.sitofp %convert_element_type3A_40 : vector<256x1xi32> to vector<256x1xf32>
      %reduce_sum3A_42 = vector.shape_cast %convert_element_type3A_41 : vector<256x1xf32> to vector<1x256x1xf32>
      %reduce_sum3A_43 = arith.constant dense<0.000000e+00> : vector<1xf32>
      %reduce_sum3A_44 = vector.multi_reduction <add>, %reduce_sum3A_42, %reduce_sum3A_43 [1, 2] : vector<1x256x1xf32> to vector<1xf32>
      %reduce_sum3A_45 = vector.shape_cast %reduce_sum3A_44 : vector<1xf32> to vector<1x1x1xf32>
      %reduce_sum3A_46 = vector.extract %reduce_sum3A_45[0, 0, 0] : f32 from vector<1x1x1xf32>
      %mul3A_47 = arith.constant 2.44140625E-4 : f32
      %mul3A_48 = arith.mulf %reduce_sum3A_46, %mul3A_47 : f32
      %lt3A_49 = arith.constant 5.000000e+00 : f32
      %lt3A_50 = vector.broadcast %lt3A_49 : f32 to vector<256x1xf32>
      %lt3A_51 = arith.cmpf olt, %get3A_36, %lt3A_50 : vector<256x1xf32>
      %convert_element_type3A_52 = arith.extui %lt3A_51 : vector<256x1xi1> to vector<256x1xi32>
      %convert_element_type3A_53 = arith.sitofp %convert_element_type3A_52 : vector<256x1xi32> to vector<256x1xf32>
      %reduce_sum3A_54 = vector.shape_cast %convert_element_type3A_53 : vector<256x1xf32> to vector<1x256x1xf32>
      %reduce_sum3A_55 = arith.constant dense<0.000000e+00> : vector<1xf32>
      %reduce_sum3A_56 = vector.multi_reduction <add>, %reduce_sum3A_54, %reduce_sum3A_55 [1, 2] : vector<1x256x1xf32> to vector<1xf32>
      %reduce_sum3A_57 = vector.shape_cast %reduce_sum3A_56 : vector<1xf32> to vector<1x1x1xf32>
      %reduce_sum3A_58 = vector.extract %reduce_sum3A_57[0, 0, 0] : f32 from vector<1x1x1xf32>
      %mul3A_59 = arith.constant 2.44140625E-4 : f32
      %mul3A_60 = arith.mulf %reduce_sum3A_58, %mul3A_59 : f32
      %iota3A_61 = tpu.iota {dimensions = array<i32: 1>} : vector<1x128xi32>
      %eq3A_62 = arith.constant 0 : i32
      %eq3A_63 = vector.broadcast %eq3A_62 : i32 to vector<1x128xi32>
      %eq3A_64 = arith.cmpi eq, %iota3A_61, %eq3A_63 : vector<1x128xi32>
      %jit3A = arith.constant 0.000000e+00 : f32
      %broadcast_in_dim3A_65 = vector.broadcast %mul3A_48 : f32 to vector<1x128xf32>
      %broadcast_in_dim3A_66 = vector.broadcast %jit3A : f32 to vector<1x128xf32>
      %select_n3A = arith.select %eq3A_64, %broadcast_in_dim3A_65, %broadcast_in_dim3A_66 : vector<1x128xi1>, vector<1x128xf32>
      %eq3A_67 = arith.constant 1 : i32
      %eq3A_68 = vector.broadcast %eq3A_67 : i32 to vector<1x128xi32>
      %eq3A_69 = arith.cmpi eq, %iota3A_61, %eq3A_68 : vector<1x128xi32>
      %jit3A_70 = arith.constant 0.000000e+00 : f32
      %broadcast_in_dim3A_71 = vector.broadcast %mul3A_60 : f32 to vector<1x128xf32>
      %broadcast_in_dim3A_72 = vector.broadcast %jit3A_70 : f32 to vector<1x128xf32>
      %select_n3A_73 = arith.select %eq3A_69, %broadcast_in_dim3A_71, %broadcast_in_dim3A_72 : vector<1x128xi1>, vector<1x128xf32>
      %add3A_74 = arith.addf %select_n3A, %select_n3A_73 : vector<1x128xf32>
      %eq3A_75 = arith.constant 0 : i32
      %eq3A_76 = arith.cmpi eq, %arg0, %eq3A_75 : i32
      %convert_element_type3A_77 = arith.extui %eq3A_76 : i1 to i32
      %cond3A_78 = arith.constant 0 : i32
      %cond3A_79 = arith.cmpi ne, %convert_element_type3A_77, %cond3A_78 : i32
      scf.if %cond3A_79 {
        %swap3A_85 = arith.constant 0 : index
        %swap3A_86 = arith.constant 0 : index
        %swap3A_87 = vector.load %arg5[%swap3A_85, %swap3A_86] : memref<1x128xf32, #tpu.memory_space<vmem>>, vector<1x128xf32>
        tpu.vector_store %arg5[%swap3A_85, %swap3A_86], %add3A_74 {strides = array<i32>} : memref<1x128xf32, #tpu.memory_space<vmem>>, vector<1x128xf32>,
      } else {
      }
      %gt3A_80 = arith.constant 0 : i32
      %gt3A_81 = arith.cmpi sgt, %arg0, %gt3A_80 : i32
      %convert_element_type3A_82 = arith.extui %gt3A_81 : i1 to i32
      %cond3A_83 = arith.constant 0 : i32
      %cond3A_84 = arith.cmpi ne, %convert_element_type3A_82, %cond3A_83 : i32
      scf.if %cond3A_84 {
        %get3A_85 = arith.constant 0 : index
        %get3A_86 = arith.constant 0 : index
        %get3A_87 = vector.load %arg5[%get3A_85, %get3A_86] : memref<1x128xf32, #tpu.memory_space<vmem>>, vector<1x128xf32>
        %add3A_88 = arith.addf %get3A_87, %add3A_74 : vector<1x128xf32>
        %swap3A_89 = arith.constant 0 : index
        %swap3A_90 = arith.constant 0 : index
        %swap3A_91 = vector.load %arg5[%swap3A_89, %swap3A_90] : memref<1x128xf32, #tpu.memory_space<vmem>>, vector<1x128xf32>
        tpu.vector_store %arg5[%swap3A_89, %swap3A_90], %add3A_88 {strides = array<i32>} : memref<1x128xf32, #tpu.memory_space<vmem>>, vector<1x128xf32>,
      } else {
      }
    } else {
    }
    return
  }
  func.func @transform_0(%arg0: i32, %arg1: i32) -> (i32, i32) {
    %c0_i32 = arith.constant 0 : i32
    %c0_i32_0 = arith.constant 0 : i32
    return %arg0, %c0_i32 : i32, i32
  }
  func.func @transform_1(%arg0: i32, %arg1: i32) -> (i32, i32) {
    %c0_i32 = arith.constant 0 : i32
    %c0_i32_0 = arith.constant 0 : i32
    return %arg0, %c0_i32 : i32, i32
  }
  func.func @transform_2(%arg0: i32, %arg1: i32) -> (i32, i32) {
    %c0_i32 = arith.constant 0 : i32
    return %arg0, %arg1 : i32, i32
  }
  func.func @transform_3(%arg0: i32, %arg1: i32) -> (i32, i32) {
    %c0_i32 = arith.constant 0 : i32
    %c0_i32_0 = arith.constant 0 : i32
    %c0_i32_1 = arith.constant 0 : i32
    return %c0_i32, %c0_i32_0 : i32, i32
  }
}

</mosaic_0001>

<sc_bundles>
// kernel: kernel.4.cloned.1.call-start
scs
__scs_entry_jumppad:
0x0: {  	(pc) =	sbr.rel $0x88, $3  }
0x1: {  	(tag) =	ssettag $0x0;
	lr =	simm.s32 $0x1  }
0x2: {  	[smem:$0x3F9F] =	sst lr;
	_ =	strace $0xD0000000  }
0x3: {  	_ = 	snop  }
0x4: {  	_ = 	snop  }
0x5: {  	_ = 	snop  }
0x6: {  	_ = 	snop  }
0x7: {  	_ = 	snop  }
__scs_overlays_trampoline_lowered:
0x8: {  	[smem:$0x3FAE] =	sst s0  }
0x9: {  	[smem:$0x3FAF] =	sst s1  }
0xa: {  	[smem:$0x3FB0] =	sst s2  }
0xb: {  	[smem:$0x3FB1] =	sst s3  }
0xc: {  	[smem:$0x3FB2] =	sst s4  }
0xd: {  	[smem:$0x3FB3] =	sst s5  }
0xe: {  	[smem:$0x3FB4] =	sst s6  }
0xf: {  	[smem:$0x3FB5] =	sst s7  }
0x10: {  	[smem:$0x3FB6] =	sst s8  }
0x11: {  	[smem:$0x3FB7] =	sst s9;
	s0 =	simm.s32 @!p0 $0x0  }
0x12: {  	s1 =	sld [smem:$0x3F9D];
	s0 =	simm.s32 @p0 $0x1  }
0x13: {  	[smem:$0x3FB8] =	sst s0;
	s0 =	simm.s32 @!p1 $0x0  }
0x14: {  	s2 =	sld [smem:$0x3F9C];
	s0 =	simm.s32 @p1 $0x1  }
0x15: {  	[smem:$0x3FB9] =	sst s0;
	s0 =	simm.s32 @!p2 $0x0  }
0x16: {  	s3 =	sld [smem:$0x3FDB];
	s0 =	simm.s32 @p2 $0x1  }
0x17: {  	s4 =	simm.s32 $0x1BF5;
	[smem:$0x3FBB] =	sst s0  }
0x18: {  	s0 =	sld [smem:$0x3F9E];
	_ =	swait.ge [sflag:s4], $0x0  }
0x19: {  	s7 =	sld [smem:$0x3F9F]  }
0x1a: {  	s8 =	sadd.s32 $0xFFFFE003, lr  }
0x1b: {  	s9 =	sadd.s32 $0xFFFFFEF7, lr;
	s5 =	simm.s32 $0xFFFFFFFF;
	p2 =	slt.u32 s8, $0xFFFFF086  }
0x1c: {  	p1 =	slt.u32 s9, $0xF7A;
	s5 =	simm.s32 @!p2 $0x0  }
0x1d: {  	s5 =	simm.s32 @p1 $0x1;
	p0 =	seq.s32 s7, s2  }
0x1e: {  	s7 =	smul.u32 @!p0 $0xF7A, s2;
	p2 =	seq.s32 @!p0 s5, $0x0  }
0x1f: {  	s9 =	smul.u32 $0xF7A, s1;
	s8 =	simm.s32 @!p0 $0x1BF5;
	p2 =	por !p2, p0  }
0x20: {  	[sflag:s8] =	ssyncset.s32 @!p0 $0xFFFFF086;
	s6 =	sadd.s32 @!p0 s3, s7;
	s7 =	simm.s32 @!p0 $0x108  }
0x21: {  	s3 =	sadd.s32 s3, s9;
	s6 =	sadd.s32 @!p0 $0x88, s6;
	s7 =	simm.s32 @p2 $0x1082  }
0x22: {  	[simem:s7], [sflag:s8] =	dma.local @!p0 [hbm:s6], $0xF7A  }
0x23: {  	s9 =	sor.u32 $0xD0000000, s2;
	s6 =	simm.s32 $0x108;
	_ =	swait.ge @!p0 [sflag:s8], $0x0  }
0x24: {  	s3 =	sadd.s32 $0x88, s3;
	s6 =	simm.s32 @!p1 $0x1082;
	[sflag:s4] =	ssyncset.s32 $0xFFFFF086  }
0x25: {  	[simem:s6], [sflag:s4] =	dma.local [hbm:s3], $0xF7A  }
0x26: {  	[smem:$0x3F9F] =	sst s1;
	(tag) =	ssettag s2;
	_ =	strace s9  }
0x27: {  	s1 =	sld [smem:$0x3FAF]  }
0x28: {  	s2 =	sld [smem:$0x3FB0]  }
0x29: {  	s4 =	sld [smem:$0x3FB2]  }
0x2a: {  	p0 =	seq.s32 s5, $0x0;
	s5 =	sld [smem:$0x3FB3]  }
0x2b: {  	s6 =	sld [smem:$0x3FB4]  }
0x2c: {  	s7 =	sld [smem:$0x3FB5]  }
0x2d: {  	s3 =	simm.s32 $0x108;
	s8 =	sld [smem:$0x3FB6]  }
0x2e: {  	s3 =	simm.s32 @!p0 $0x1082;
	s9 =	sld [smem:$0x3FB7]  }
0x2f: {  	lr =	sadd.s32 s0, s3;
	s0 =	sld [smem:$0x3FAE]  }
0x30: {  	s3 =	sld [smem:$0x3FB1]  }
0x31: {  	[smem:$0x3FBA] =	sst s10  }
0x32: {  	s10 =	sld [smem:$0x3FB8];
	_ =	sdelay $0x3  }
0x33: {  	p0 =	seq.s32 s10, $0x1;
	s10 =	sld [smem:$0x3FBA];
	_ =	sdelay $0x3  }
0x34: {  	[smem:$0x3FBA] =	sst s10  }
0x35: {  	s10 =	sld [smem:$0x3FB9];
	_ =	sdelay $0x3  }
0x36: {  	p1 =	seq.s32 s10, $0x1;
	s10 =	sld [smem:$0x3FBA];
	_ =	sdelay $0x3  }
0x37: {  	[smem:$0x3FBA] =	sst s10  }
0x38: {  	s10 =	sld [smem:$0x3FBB]  }
0x39: {  	_ = 	snop;
	(pc) =	sbr.ind lr, $3  }
0x3a: {  	_ = 	snop  }
0x3b: {  	_ = 	snop  }
0x3c: {  	p2 =	seq.s32 s10, $0x1;
	s10 =	sld [smem:$0x3FBA]  }
0x3d: {  	_ =	shalt  }
0x3e: {  	_ =	shalt  }
0x3f: {  	_ =	shalt  }
0x40: {  	_ =	shalt  }
0x41: {  	_ =	shalt  }
0x42: {  	_ =	shalt  }
0x43: {  	_ =	shalt  }
0x44: {  	_ =	shalt  }
0x45: {  	_ =	shalt  }
0x46: {  	_ =	shalt  }
0x47: {  	_ =	shalt  }
0x48: {  	_ =	shalt  }
0x49: {  	_ =	shalt  }
0x4a: {  	_ =	shalt  }
0x4b: {  	_ =	shalt  }
0x4c: {  	_ =	shalt  }
0x4d: {  	_ =	shalt  }
0x4e: {  	_ =	shalt  }
0x4f: {  	_ =	shalt  }
0x50: {  	_ =	shalt  }
0x51: {  	_ =	shalt  }
0x52: {  	_ =	shalt  }
0x53: {  	_ =	shalt  }
0x54: {  	_ =	shalt  }
0x55: {  	_ =	shalt  }
0x56: {  	_ =	shalt  }
0x57: {  	_ =	shalt  }
0x58: {  	_ =	shalt  }
0x59: {  	_ =	shalt  }
0x5a: {  	_ =	shalt  }
0x5b: {  	_ =	shalt  }
0x5c: {  	_ =	shalt  }
0x5d: {  	_ =	shalt  }
0x5e: {  	_ =	shalt  }
0x5f: {  	_ =	shalt  }
0x60: {  	_ =	shalt  }
0x61: {  	_ =	shalt  }
0x62: {  	_ =	shalt  }
0x63: {  	_ =	shalt  }
0x64: {  	_ =	shalt  }
0x65: {  	_ =	shalt  }
0x66: {  	_ =	shalt  }
0x67: {  	_ =	shalt  }
0x68: {  	_ =	shalt  }
0x69: {  	_ =	shalt  }
0x6a: {  	_ =	shalt  }
0x6b: {  	_ =	shalt  }
0x6c: {  	_ =	shalt  }
0x6d: {  	_ =	shalt  }
0x6e: {  	_ =	shalt  }
0x6f: {  	_ =	shalt  }
0x70: {  	_ =	shalt  }
0x71: {  	_ =	shalt  }
0x72: {  	_ =	shalt  }
0x73: {  	_ =	shalt  }
0x74: {  	_ =	shalt  }
0x75: {  	_ =	shalt  }
0x76: {  	_ =	shalt  }
0x77: {  	_ =	shalt  }
0x78: {  	_ =	shalt  }
0x79: {  	_ =	shalt  }
0x7a: {  	_ =	shalt  }
0x7b: {  	_ =	shalt  }
0x7c: {  	_ =	shalt  }
0x7d: {  	_ =	shalt  }
0x7e: {  	_ =	shalt  }
0x7f: {  	_ =	shalt  }
0x80: {  	_ =	shalt  }
0x81: {  	_ =	shalt  }
0x82: {  	_ =	shalt  }
0x83: {  	_ =	shalt  }
0x84: {  	_ =	shalt  }
0x85: {  	_ =	shalt  }
0x86: {  	_ =	shalt  }
0x87: {  	_ =	shalt  }
.Lfunc_end0:
.L_simem_size_0:
called_computation_lowered:
.L_overlay_start_0:
0x88: {  	s2 =	sld [smem:$0x3FD9]  }
0x89: {  	s3 =	sld [smem:$0x3FFE];
	_ =	sdelay $0x1  }
0x8a: {  	s1 =	srdreg.scid  }
0x8b: {  	s0 =	sand.u32 $0x1, s1  }
0x8c: {  	s17 =	sshll.u32 s0, $0xA;
	s2 =	sadd.s32 s3, s2  }
0x8d: {  	s2 =	sadd.s32 s2, s17  }
0x8e: {  	[smem:$0x3FC6] =	sst s2  }
0x8f: {  	_ = 	snop  }
0x90: {  	s2 =	sld [smem:$0x3FC8];
	(tm) =	ssettm $0x1  }
0x91: {  	s18 =	sld [smem:$0x3FFB];
	_ =	sdelay $0x3  }
0x92: {  	_ =	strace s18  }
0x93: {  	s3 =	sld [smem:$0x3FFC];
	_ =	sdelay $0x3  }
0x94: {  	_ =	strace s3  }
0x95: {  	s3 =	sld [smem:$0x3FFD];
	_ =	sdelay $0x3  }
0x96: {  	_ =	strace s3  }
0x97: {  	_ =	strace $0x8FFFFFFF  }
0x98: {  	s19 =	sld [smem:$0x3FDB];
	_ =	sdelay $0x1  }
0x99: {  	s4 =	simm.s32 $_scs_section_size  }
0x9a: {  	s5 =	simm.s32 $_size__tile_overlayer_lowered;
	s6 =	simm.s32 $_tile_overlayer_lowered  }
0x9b: {  	s22 =	simm.s32 $0x1BFF;
	s21 =	sshll.u32 s6, $0x1;
	s3 =	sadd.s32 s4, s19  }
0x9c: {  	s7 =	simm.s32 $0x0;
	s20 =	sshll.u32 s5, $0x1;
	s5 =	sadd.s32 s21, s3  }
0x9d: {  	[timem:s7], [sflag:s22] =	dma.local [hbm:s5], s20  }
0x9e: {  	_ =	swait.ge [sflag:s22], s20  }
0x9f: {  	s4 =	ssub.s32 $0x0, s20;
	[sflag:s22] =	ssyncset.done $0x0  }
0xa0: {  	[sflag:s22] =	ssyncadd.s32 s4;
	_ =	sdelay $0x1  }
0xa1: {  	s23 =	simm.s32 $0x1B8B  }
0xa2: {  	_ =	swait.ge [sflag:s23], $0x1  }
0xa3: {  	[sflag:s23] =	ssyncset.done $0x0  }
0xa4: {  	s25 =	simm.s32 $0x1B8E;
	s24 =	sld [smem:$0x3FFE];
	[sflag:s23] =	ssyncadd.s32 $0xFFFFFFFF  }
0xa5: {  	s26 =	simm.s32 $execute0_lowered;
	[smem:$0x3FD2] =	sst s25  }
0xa6: {  	s5 =	sshll.u32 s26, $0x1;
	_ =	strace $0x80000046;
	[dreg:$0x1] =	wrdreg $0xFFFFFFFF  }
0xa7: {  	s28 =	simm.s32 $_size_execute0_lowered;
	s3 =	sadd.s32 s3, s5;
	[dreg:$0x0] =	wrdreg $0x0  }
0xa8: {  	s5 =	sshll.u32 s28, $0x1;
	[dreg:$0x2] =	wrdreg s3  }
0xa9: {  	[dreg:$0x3] =	wrdreg s5  }
0xaa: {  	[dreg:$0x4] =	wrdreg $0xC0  }
0xab: {  	_ =	task [dreg:s7], $0x5FFFF  }
0xac: {  	[dreg:$0x1] =	wrdreg $0xFFFFFFFF  }
0xad: {  	[dreg:$0x0] =	wrdreg $0x60  }
0xae: {  	[dreg:$0x2] =	wrdreg s24  }
0xaf: {  	[dreg:$0x3] =	wrdreg s2  }
0xb0: {  	[dreg:$0x4] =	wrdreg $0x9  }
0xb1: {  	_ =	task.clear_ibuf [dreg:s7], $0x5FFFF;
	_ =	strace $0x90000046  }
0xb2: {  	s29 =	simm.s32 $0x9;
	_ =	strace $0x80000048  }
0xb3: {  	_ =	swait.ge [sflag:s29], $0x1  }
0xb4: {  	[sflag:s29] =	ssyncadd.s32 $0xFFFFFFFF  }
0xb5: {  	_ =	strace $0x90000048  }
0xb6: {  	_ =	sfence  }
0xb7: {  	s30 =	sld [smem:$0x0];
	_ =	sdelay $0x2  }
0xb8: {  	s31 =	sshll.u32 s1, $0xD;
	s1 =	sshrl.u32 s1, $0x2  }
0xb9: {  	s3 =	sand.u32 $0x4000, s31;
	s1 =	sadd.s32 s1, s30  }
0xba: {  	s0 =	sor.u32 s3, s0;
	s1 =	sshll.u32 s1, $0x11  }
0xbb: {  	s0 =	sor.u32 s1, s0  }
0xbc: {  	s0 =	sadd.s32 $0x8F2B, s0  }
0xbd: {  	[sflag:s0] =	ssyncadd.remote.s32 $0x1  }
0xbe: {  	_ =	sfence.sel $0xFFFF  }
0xbf: {  	[dreg:$0x0] =	wrdreg $0xFFFFFFFF;
	(pc) =	sbr.abs _section_cstart, $3  }
0xc0: {  	[dreg:$0x1] =	wrdreg $0xFFFFFFFF  }
0xc1: {  	_ =	task.clear_ibuf [dreg:s7], $0x2FFFF;
	_ =	strace $0x9FFFFFFF  }
0xc2: {  	(tm) =	ssettm $0x7FFFFFFF  }
0xc3: {  	_ =	shalt  }
tec
execute0_lowered:
.L_overlay_start_1:
0x0: {  	(tag) =	ssettag $0x1  }
0x1: {  	s6 =	rddreg [dreg:$0x0]  }
0x2: {  	s3 =	rddreg [dreg:$0x1];
	s2 =	srdreg.scid  }
0x3: {  	s0 =	rddreg [dreg:$0x2];
	s1 =	stileid.u32;
	s7 =	sand.u32 $0x1, s2  }
0x4: {  	s2 =	simm.s32 $0x0;
	s4 =	sshll.u32 s1, $0x8;
	s5 =	sshll.u32 s7, $0x7  }
0x5: {  	[smem:$0x7FF] =	sst s2;
	s5 =	sor.u32 s5, s4  }
0x6: {  	_ =	strace $0x80000047;
	s4 =	sshrl.u32 s5, $0x3;
	s8 =	sor.u32 $0x10, s5  }
0x7: {  	s25 =	sor.u32 $0x30, s5;
	s4 =	sadd.s32 s3, s4;
	s3 =	simm.s32 $0x2  }
0x8: {  	v1 =	vlaneseq.u32;
	v0 =	vmov s5;
	[tilespmem:s2], [sflag:$0x2] =	stream.linear.gather [hbm4b:s4+s2], $0x80, $0x38;
	[tilespmem:$0x4100] =	vst v63  }
0x9: {  	v7 =	vmul.u32 $0x186A0, v1;
	s9 =	sor.u32 $0x50, s5;
	s26 =	sor.u32 $0x40, s5;
	v0 =	vmul.u32 $0x186A0, v0;
	v2 =	vmov s8;
	_ =	swait.ge [sflag:s3], $0x80  }
0xa: {  	s28 =	sor.u32 $0x60, s5;
	s29 =	sor.u32 $0x70, s5;
	v3 =	vmov s25;
	v4 =	vmov s9;
	v5 =	vmov s26;
	[sflag:s3] =	ssyncset.done $0x0  }
0xb: {  	s24 =	sor.u32 $0x20, s5;
	v11 =	vmov s28;
	v14 =	vmov s29;
	v1 =	vmul.u32 $0x186A0, v2;
	[sflag:s3] =	ssyncadd.s32 $0xFFFFFF80  }
0xc: {  	v2 =	vmov s24;
	v3 =	vmul.u32 $0x186A0, v3;
	v4 =	vmul.u32 $0x186A0, v4;
	v6 =	vld [tilespmem:$0x50]  }
0xd: {  	v5 =	vmul.u32 $0x186A0, v5;
	v11 =	vmul.u32 $0x186A0, v11;
	v0 =	vbroadcast v0, $0x0;
	v8 =	vld [tilespmem:$0x30]  }
0xe: {  	v2 =	vmul.u32 $0x186A0, v2;
	v1 =	vbroadcast v1, $0x0;
	v4 =	vbroadcast v4, $0x0;
	v9 =	vld [tilespmem:$0x20]  }
0xf: {  	s7 =	ssub.s32 $0x2, s7;
	v14 =	vmul.u32 $0x186A0, v14;
	v3 =	vbroadcast v3, $0x0;
	v5 =	vbroadcast v5, $0x0;
	v10 =	vld [tilespmem:$0x10]  }
0x10: {  	s30 =	sshrl.u32 s7, $0x1;
	v2 =	vbroadcast v2, $0x0;
	v0 =	vadd.s32 v7, v0;
	v4 =	vadd.s32 v7, v4;
	v12 =	vld [tilespmem:$0x40]  }
0x11: {  	s7 =	ssub.s32 s7, s30;
	v1 =	vadd.s32 v7, v1;
	v3 =	vadd.s32 v7, v3;
	v13 =	vld [tilespmem:$0x0];
	v6 =	vadd.s32 v6, v4  }
0x12: {  	s10 =	smax.u32 s7, $0x1;
	v15 =	vld [tilespmem:$0x60];
	v2 =	vadd.s32 v7, v2;
	v8 =	vadd.s32 v8, v3;
	v6 =	vshrl.u32 v6, $0x7  }
0x13: {  	p0 =	sne.s32 s10, $0x1;
	v5 =	vadd.s32 v7, v5;
	v16 =	vld [tilespmem:$0x70];
	v9 =	vadd.s32 v9, v2;
	v8 =	vshrl.u32 v8, $0x7;
	[tilespmem:$0xD0] =	vst v6  }
.Ltmp0:
0x14: {  	v9 =	vshrl.u32 v9, $0x7;
	[tilespmem:$0xB0] =	vst v8;
	v6 =	vbroadcast v11, $0x0;
	v8 =	vadd.s32 v10, v1;
	(pc) =	sbr.rel @!p0 .LBB2_2-.Ltmp0, $4  }
0x15: {  	v10 =	vbroadcast v14, $0x0;
	[tilespmem:$0xA0] =	vst v9;
	v9 =	vadd.s32 v12, v5;
	v8 =	vshrl.u32 v8, $0x7  }
0x16: {  	s31 =	sshll.u32 s5, $0x4;
	s5 =	sadd.s32 $0x30E0800, s6;
	v11 =	vadd.s32 v13, v0;
	v6 =	vadd.s32 v7, v6;
	[tilespmem:$0x90] =	vst v8;
	v8 =	vshrl.u32 v9, $0x7  }
0x17: {  	s6 =	sadd.s32 s31, s6;
	s7 =	simm.s32 $0x80;
	s8 =	simm.s32 $0x100;
	v7 =	vadd.s32 v7, v10;
	v9 =	vshrl.u32 v11, $0x7;
	[tilespmem:$0xC0] =	vst v8;
	v8 =	vadd.s32 v15, v6  }
0x18: {  	s9 =	simm.s32 $0x1;
	s6 =	sadd.s32 $0x61B4800, s6;
	s10 =	sadd.s32 $0xFFFFFFFF, s10;
	[tilespmem:$0x80] =	vst v9;
	v9 =	vadd.s32 v16, v7;
	v8 =	vshrl.u32 v8, $0x7  }
.LBB2_1:
0x19: {  	p0 =	sne.s32 s10, $0x1;
	s10 =	sadd.s32 $0xFFFFFFFF, s10;
	[tilespmem:$0xE0] =	vst v8;
	v8 =	vshrl.u32 v9, $0x7  }
0x1a: {  	[tilespmem:$0xF0] =	vst v8  }
0x1b: {  	[tilespmem:s8], [sflag:$0x1] =	stream.indirect.gather [hbm4b:s5+s7], $0x80, s7, s7, $0xb8;
	[tilespmem:$0x4100] =	vst v63  }
0x1c: {  	_ =	swait.ge [sflag:s9], $0x4000  }
0x1d: {  	[sflag:s9] =	ssyncset.done $0x0  }
0x1e: {  	[sflag:s9] =	ssyncadd.s32 $0xFFFFC000  }
0x1f: {  	[hbm4b:s6+s2] =	stream.linear.scatter [tilespmem:s8], [sflag:$0x2], $0x4000, $0x38;
	[tilespmem:$0x4100] =	vst v63  }
0x20: {  	_ =	swait.ge [sflag:s3], $0x4000  }
0x21: {  	[sflag:s3] =	ssyncset.done $0x0  }
0x22: {  	[sflag:s3] =	ssyncadd.s32 $0xFFFFC000  }
0x23: {  	[tilespmem:s2], [sflag:$0x2] =	stream.linear.gather [hbm4b:s4+s2], $0x80, $0x38;
	[tilespmem:$0x4100] =	vst v63  }
0x24: {  	_ =	swait.ge [sflag:s3], $0x80  }
0x25: {  	[sflag:s3] =	ssyncset.done $0x0  }
0x26: {  	[sflag:s3] =	ssyncadd.s32 $0xFFFFFF80  }
0x27: {  	v8 =	vld [tilespmem:$0x50]  }
0x28: {  	v9 =	vld [tilespmem:$0x30]  }
0x29: {  	v10 =	vld [tilespmem:$0x20]  }
0x2a: {  	v11 =	vld [tilespmem:$0x10]  }
0x2b: {  	v12 =	vld [tilespmem:$0x40]  }
0x2c: {  	v13 =	vld [tilespmem:$0x0];
	v8 =	vadd.s32 v8, v4  }
0x2d: {  	v9 =	vadd.s32 v9, v3;
	v8 =	vshrl.u32 v8, $0x7;
	v14 =	vld [tilespmem:$0x60]  }
0x2e: {  	v10 =	vadd.s32 v10, v2;
	v9 =	vshrl.u32 v9, $0x7;
	[tilespmem:$0xD0] =	vst v8;
	v15 =	vld [tilespmem:$0x70]  }
.Ltmp1:
0x2f: {  	v8 =	vadd.s32 v11, v1;
	v10 =	vshrl.u32 v10, $0x7;
	[tilespmem:$0xB0] =	vst v9;
	(pc) =	sbr.rel @p0 .LBB2_1-.Ltmp1, $4  }
0x30: {  	v8 =	vshrl.u32 v8, $0x7;
	[tilespmem:$0xA0] =	vst v10;
	v9 =	vadd.s32 v12, v5  }
0x31: {  	v10 =	vadd.s32 v13, v0;
	[tilespmem:$0x90] =	vst v8;
	v8 =	vshrl.u32 v9, $0x7  }
0x32: {  	v9 =	vshrl.u32 v10, $0x7;
	[tilespmem:$0xC0] =	vst v8;
	v8 =	vadd.s32 v14, v6  }
0x33: {  	[tilespmem:$0x80] =	vst v9;
	v8 =	vshrl.u32 v8, $0x7;
	v9 =	vadd.s32 v15, v7  }
.LBB2_2:
0x34: {  	[tilespmem:$0xE0] =	vst v8;
	v0 =	vshrl.u32 v9, $0x7  }
0x35: {  	[tilespmem:$0xF0] =	vst v0  }
0x36: {  	[tilespmem:s8], [sflag:$0x1] =	stream.indirect.gather [hbm4b:s5+s7], $0x80, s7, s7, $0xb8;
	[tilespmem:$0x4100] =	vst v63  }
0x37: {  	_ =	swait.ge [sflag:s9], $0x4000  }
0x38: {  	[sflag:s9] =	ssyncset.done $0x0  }
0x39: {  	[sflag:s9] =	ssyncadd.s32 $0xFFFFC000  }
0x3a: {  	[hbm4b:s6+s2] =	stream.linear.scatter [tilespmem:s8], [sflag:$0x2], $0x4000, $0x38;
	[tilespmem:$0x4100] =	vst v63  }
0x3b: {  	_ =	swait.ge [sflag:s3], $0x4000  }
0x3c: {  	[sflag:s3] =	ssyncset.done $0x0  }
0x3d: {  	[sflag:s3] =	ssyncadd.s32 $0xFFFFC000  }
0x3e: {  	_ =	sfence.sel $0x180000  }
0x3f: {  	[bflag:$0x0] =	sbarrier.arrive $0xFFFF  }
0x40: {  	p0 =	sne.s32 s1, $0x0;
	_ =	strace $0x90000047  }
0x41: {  	s0 =	sadd.s32 @!p0 $0x100000, s0;
	[bflag:$0x2] =	sbarrier.arrive $0xFFFF  }
0x42: {  	[sflag:s0] =	ssyncadd.tile.s32 @!p0 $0x1;
	_ =	shalt  }
.Lfunc_end2:
_tile_overlayer_lowered:
.L_overlay_start_2:
0x43: {  	(tag) =	ssettag $0x2  }
0x44: {  	s0 =	rddreg [dreg:$0x0];
	s2 =	stileid.u32  }
0x45: {  	s1 =	rddreg [dreg:$0x1];
	p0 =	sne.s32 s2, $0x0  }
0x46: {  	s3 =	rddreg [dreg:$0x2];
	[bflag:$0x3] =	sbarrier.arrive $0xFFFF;
	s2 =	simm.s32 @!p0 $0x1C02  }
0x47: {  	[timem:s3], [sflag:s2] =	dma.local @!p0 [hbm:s0], s1  }
0x48: {  	s0 =	simm.s32 @!p0 $0x2  }
0x49: {  	_ =	swait.ge @!p0 [sflag:s0], s1  }
0x4a: {  	s1 =	ssub.s32 @!p0 $0x0, s1;
	[sflag:s0] =	ssyncset.done @!p0 $0x0  }
0x4b: {  	[sflag:s0] =	ssyncadd.s32 @!p0 s1  }
0x4c: {  	[bflag:$0x3] =	sbarrier.arrive $0xFFFF  }
0x4d: {  	_ =	shalt  }

</sc_bundles>
